<compile_context>
chip_gen: v7x
topology: tpu7x:2x2x1
jax: 0.10.2.dev20260603
libtpu: 0.0.44.dev20260713+nightly
codegen_flags: <defaults>
</compile_context>

<pallas_src>
import functools

import jax
import jax.numpy as jnp
from jax import lax
from jax.experimental import pallas as pl
from jax.experimental.pallas import tpu as pltpu
from jax.experimental.pallas import tpu_sc as plsc

M = 1024
INPUT_DIM = 256
HIDDEN = 64
B = 4
N = 196
T = B * N
TP = 1024

NC = 1
NS = 16
NW = NC * NS
BPW = TP // NW

DPAD = 128


def _bf16x1_dot(a, b):
    return lax.dot_general(a.astype(jnp.bfloat16), b.astype(jnp.bfloat16),
                           (((1,), (1,)), ((), ())),
                           preferred_element_type=jnp.float32)


def _tc_score_kernel(x_ref, m1_ref, w1_ref, b1_ref, w2_ref, b2_ref,
                     idx_ref, outa_ref, gt_ref):
    W1b = w1_ref[...].astype(jnp.bfloat16)
    embs = [
        lax.dot_general(x_ref[b].astype(jnp.bfloat16), W1b,
                        (((0,), (1,)), ((), ())),
                        preferred_element_type=jnp.float32)
        for b in range(B)
    ]
    emb = jnp.concatenate(embs, axis=0)
    emb = jnp.maximum(emb + b1_ref[...], 0.0)

    mx = jnp.max(emb, axis=1, keepdims=True)
    ex = jnp.exp(emb - mx)
    p = ex / jnp.sum(ex, axis=1, keepdims=True)
    logp = jnp.log(p)

    m1 = m1_ref[...]
    cmx = jnp.max(m1, axis=1, keepdims=True)
    ce = jnp.exp(m1 - cmx)
    m = ce / jnp.sum(ce, axis=1, keepdims=True)
    ent = jnp.sum(m * jnp.log(m), axis=1, keepdims=True)

    crossT = _bf16x1_dot(m, logp)
    klT = ent - crossT

    mn = jnp.min(klT, axis=0, keepdims=True)
    ii = lax.broadcasted_iota(jnp.int32, (M, T), 0)
    idx_ref[:, 0:T] = jnp.min(jnp.where(klT == mn, ii, jnp.int32(2**30)),
                              axis=0, keepdims=True)
    idx_ref[:, T:TP] = jnp.zeros((1, TP - T), jnp.int32)

    w2a = w2_ref[:, 0:HIDDEN]
    w2b = w2_ref[:, HIDDEN:2 * HIDDEN]
    outa_ref[0:T, :] = _bf16x1_dot(emb, w2a) + b2_ref[...]

    gt = _bf16x1_dot(m1, w2b)
    gt_ref[...] = jnp.concatenate(
        [gt, jnp.zeros((M, DPAD - HIDDEN), jnp.float32)], axis=1)


@functools.lru_cache(maxsize=1)
def _make_sc_out():
    mesh = plsc.VectorSubcoreMesh(core_axis_name="c", subcore_axis_name="s", num_cores=1)

    @functools.partial(
        pl.kernel,
        mesh=mesh,
        out_type=jax.ShapeDtypeStruct((TP, HIDDEN), jnp.float32),
        scratch_types=[
            pltpu.VMEM((BPW,), jnp.int32),
            pltpu.VMEM((BPW, DPAD), jnp.float32),
            pltpu.VMEM((BPW, HIDDEN), jnp.float32),
            pltpu.SemaphoreType.DMA,
            pltpu.SemaphoreType.DMA,
        ],
    )
    def _sc_out(gt_hbm, idx_hbm, outa_hbm, out_hbm, idx_v, rows_v, acc_v,
                sem, sem2):
        wid = lax.axis_index("s") * NC + lax.axis_index("c")
        base = wid * BPW
        outa_cp = pltpu.async_copy(outa_hbm.at[pl.ds(base, BPW)], acc_v, sem2)
        pltpu.sync_copy(idx_hbm.at[pl.ds(base, BPW)], idx_v)
        NSPLIT = 2
        CH = BPW // NSPLIT
        gathers = [
            pltpu.async_copy(gt_hbm.at[idx_v.at[pl.ds(k * CH, CH)]],
                             rows_v.at[pl.ds(k * CH, CH)], sem)
            for k in range(NSPLIT)
        ]
        outa_cp.wait()
        for g in gathers:
            g.wait()

        def body(i, carry):
            for c in range(HIDDEN // 16):
                sl = (i, pl.ds(c * 16, 16))
                acc_v[sl] = acc_v[sl] + rows_v[sl]
            return carry

        lax.fori_loop(0, BPW, body, 0)
        pltpu.sync_copy(acc_v, out_hbm.at[pl.ds(base, BPW)])

    return _sc_out


def kernel(input, m1, W1, b1, W2, b2):
    x = jnp.squeeze(input, axis=-1)

    idx, outa, gt = pl.pallas_call(
        _tc_score_kernel,
        out_shape=(
            jax.ShapeDtypeStruct((1, TP), jnp.int32),
            jax.ShapeDtypeStruct((TP, HIDDEN), jnp.float32),
            jax.ShapeDtypeStruct((M, DPAD), jnp.float32),
        ),
    )(x, m1, W1, b1.reshape(1, HIDDEN), W2, b2.reshape(1, HIDDEN))

    out_t = _make_sc_out()(gt, idx.reshape(TP), outa)

    out = jnp.transpose(out_t[:T].reshape(B, N, HIDDEN), (0, 2, 1))
    return out[..., None]

# --- scband reference (transcript-rebuilt; emitter-appended) ---
"""Pipeline reference for scband-memory-66529043415393 (READ-ONLY COPY).

The authoritative reference and input builder live on the scoring server;
editing this copy changes nothing except your own understanding.
"""

import jax, jax.numpy as jnp
import numpy as np

M = 1024
INPUT_DIM = 256
HIDDEN = 64
B = 4
N = 196


def setup_inputs(seed: int = 0) -> dict:
    key = jax.random.key(seed)
    ks = jax.random.split(key, 6)
    x = jax.random.normal(ks[0], (B, INPUT_DIM, N, 1), dtype=jnp.float32)
    # xavier_uniform for codebook m1
    lim_m = float(np.sqrt(6.0 / (M + HIDDEN)))
    m1 = jax.random.uniform(ks[1], (M, HIDDEN), minval=-lim_m, maxval=lim_m, dtype=jnp.float32)
    # conv1: Conv2d(INPUT_DIM -> HIDDEN, 1x1) default torch init
    lim1 = float(np.sqrt(1.0 / INPUT_DIM))
    W1 = jax.random.uniform(ks[2], (HIDDEN, INPUT_DIM), minval=-lim1, maxval=lim1, dtype=jnp.float32)
    b1 = jax.random.uniform(ks[3], (HIDDEN,), minval=-lim1, maxval=lim1, dtype=jnp.float32)
    # conv2: Conv2d(2*HIDDEN -> HIDDEN, 1x1)
    lim2 = float(np.sqrt(1.0 / (2 * HIDDEN)))
    W2 = jax.random.uniform(ks[4], (HIDDEN, 2 * HIDDEN), minval=-lim2, maxval=lim2, dtype=jnp.float32)
    b2 = jax.random.uniform(ks[5], (HIDDEN,), minval=-lim2, maxval=lim2, dtype=jnp.float32)
    return {"input": x, "m1": m1, "W1": W1, "b1": b1, "W2": W2, "b2": b2}


def reference(input, m1, W1, b1, W2, b2):
    # conv1 (1x1) + relu, then squeeze trailing singleton -> [B, H, N]
    emb = jax.nn.relu(jnp.einsum('oi,binu->bonu', W1, input) + b1[None, :, None, None])
    emb = jnp.squeeze(emb, axis=-1)
    # m = softmax(m1) over hidden dim  [M, H]
    m = jax.nn.softmax(m1, axis=-1)
    # p = softmax(emb.permute(0,2,1)) over hidden dim  [B, N, H]
    p = jax.nn.softmax(jnp.transpose(emb, (0, 2, 1)), axis=-1)
    # KL(m || p): sum_h m*log(m) - m*log(p)  -> [B, N, M]
    ent = jnp.sum(m * jnp.log(m), axis=-1)  # [M]
    cross = jnp.einsum('bnh,mh->bnm', jnp.log(p), m)  # [B, N, M]
    kl = ent[None, None, :] - cross
    idx = jnp.argmin(kl, axis=-1)  # [B, N]
    # gather codebook rows (un-softmaxed m1, as in torch code)
    m1_sel = jnp.transpose(m1[idx], (0, 2, 1))  # [B, H, N]
    cat = jnp.concatenate([emb, m1_sel], axis=1)[..., None]  # [B, 2H, N, 1]
    out = jnp.einsum('oi,binu->bonu', W2, cat) + b2[None, :, None, None]
    return out

if __name__ == "__main__":
    import jax
    _d = setup_inputs()
    print(jax.jit(kernel)(*tuple(_d.values())))

</pallas_src>

<mosaic_0001>
#map = affine_map<(d0, d1) -> (0, 0)>
#map1 = affine_map<(d0, d1) -> (0)>
module attributes {stable_mosaic.version = 14 : i64} {
  func.func @_sc_out(%arg0: i32, %arg1: i32, %arg2: memref<1024x128xf32, #tpu.memory_space<hbm>>, %arg3: memref<1024xi32, #tpu.memory_space<hbm>>, %arg4: memref<1024x64xf32, #tpu.memory_space<hbm>>, %arg5: memref<1024x64xf32, #tpu.memory_space<hbm>>, %arg6: memref<64xi32, #tpu.memory_space<vmem>>, %arg7: memref<64x128xf32, #tpu.memory_space<vmem>>, %arg8: memref<64x64xf32, #tpu.memory_space<vmem>>, %arg9: memref<!tpu.dma_semaphore, #tpu.memory_space<semaphore_mem>>, %arg10: memref<!tpu.dma_semaphore, #tpu.memory_space<semaphore_mem>>) attributes {dimension_semantics = [#tpu.dimension_semantics<core_parallel>, #tpu.dimension_semantics<subcore_parallel>], iteration_bounds = array<i64: 1, 16>, scalar_prefetch = 0 : i64, scratch_operands = 5 : i64, tpu.core_type = #tpu.core_type<sc_vector_subcore>, window_params = [{transform_indices = #map}, {transform_indices = #map1}, {transform_indices = #map}, {transform_indices = #map}]} {
    %mul3A = arith.constant 1 : i32
    %mul3A_0 = arith.muli %arg1, %mul3A : i32
    %add3A = arith.addi %mul3A_0, %arg0 : i32
    %mul3A_1 = arith.constant 64 : i32
    %mul3A_2 = arith.muli %add3A, %mul3A_1 : i32
    %dma_start3A = arith.constant 0 : i32
    %dma_start3A_3 = tpu.memref_slice %arg4[%mul3A_2, %dma_start3A] : memref<1024x64xf32, #tpu.memory_space<hbm>> -> memref<64x64xf32, #tpu.memory_space<hbm>>
    %dma_start3A_4 = arith.constant 0 : i32
    %dma_start3A_5 = tpu.memref_slice %arg4[%mul3A_2, %dma_start3A_4] : memref<1024x64xf32, #tpu.memory_space<hbm>> -> memref<64x64xf32, #tpu.memory_space<hbm>>
    tpu.enqueue_dma source(%dma_start3A_5 : memref<64x64xf32, #tpu.memory_space<hbm>>) target(%arg8 : memref<64x64xf32, #tpu.memory_space<vmem>>) target_semaphore(%arg10 : memref<!tpu.dma_semaphore, #tpu.memory_space<semaphore_mem>>)
    "tpu.region"() ({
      %run_scoped3A = tpu.sem_alloc : memref<!tpu.dma_semaphore, #tpu.memory_space<semaphore_mem>>
      %dma_start3A_46 = tpu.memref_slice %arg3[%mul3A_2] : memref<1024xi32, #tpu.memory_space<hbm>> -> memref<64xi32, #tpu.memory_space<hbm>>
      %dma_start3A_47 = tpu.memref_slice %arg3[%mul3A_2] : memref<1024xi32, #tpu.memory_space<hbm>> -> memref<64xi32, #tpu.memory_space<hbm>>
      tpu.enqueue_dma source(%dma_start3A_47 : memref<64xi32, #tpu.memory_space<hbm>>) target(%arg6 : memref<64xi32, #tpu.memory_space<vmem>>) target_semaphore(%run_scoped3A : memref<!tpu.dma_semaphore, #tpu.memory_space<semaphore_mem>>)
      %dma_wait3A_48 = tpu.memref_slice %arg3[%mul3A_2] : memref<1024xi32, #tpu.memory_space<hbm>> -> memref<64xi32, #tpu.memory_space<hbm>>
      %dma_wait3A_49 = tpu.memref_slice %arg3[%mul3A_2] : memref<1024xi32, #tpu.memory_space<hbm>> -> memref<64xi32, #tpu.memory_space<hbm>>
      tpu.wait_dma2 semaphore(%run_scoped3A : memref<!tpu.dma_semaphore, #tpu.memory_space<semaphore_mem>>) src(%dma_wait3A_49 : memref<64xi32, #tpu.memory_space<hbm>>) dst(%arg6 : memref<64xi32, #tpu.memory_space<vmem>>)
      tpu.yield
    }) : () -> ()
    %dma_start3A_6 = arith.constant 0 : i32
    %dma_start3A_7 = arith.constant 0 : i32
    %dma_start3A_8 = tpu.memref_slice %arg7[%dma_start3A_6, %dma_start3A_7] : memref<64x128xf32, #tpu.memory_space<vmem>> -> memref<32x128xf32, #tpu.memory_space<vmem>>
    %dma_start3A_9 = arith.constant 0 : i32
    %dma_start3A_10 = tpu.memref_slice %arg6[%dma_start3A_9] : memref<64xi32, #tpu.memory_space<vmem>> -> memref<32xi32, #tpu.memory_space<vmem>>
    %dma_start3A_11 = arith.constant 0 : i32
    %dma_start3A_12 = arith.constant 0 : i32
    %dma_start3A_13 = tpu.memref_slice %arg2[%dma_start3A_11, %dma_start3A_12] : memref<1024x128xf32, #tpu.memory_space<hbm>> -> memref<1024x128xf32, #tpu.memory_space<hbm>>
    tpu.enqueue_indirect_dma source(%dma_start3A_13 : memref<1024x128xf32, #tpu.memory_space<hbm>>) target(%dma_start3A_8 : memref<32x128xf32, #tpu.memory_space<vmem>>) offsets(%dma_start3A_10 : memref<32xi32, #tpu.memory_space<vmem>>) semaphore(%arg9 : memref<!tpu.dma_semaphore, #tpu.memory_space<semaphore_mem>>)
    %dma_start3A_14 = arith.constant 32 : i32
    %dma_start3A_15 = arith.constant 0 : i32
    %dma_start3A_16 = tpu.memref_slice %arg7[%dma_start3A_14, %dma_start3A_15] : memref<64x128xf32, #tpu.memory_space<vmem>> -> memref<32x128xf32, #tpu.memory_space<vmem>>
    %dma_start3A_17 = arith.constant 32 : i32
    %dma_start3A_18 = tpu.memref_slice %arg6[%dma_start3A_17] : memref<64xi32, #tpu.memory_space<vmem>> -> memref<32xi32, #tpu.memory_space<vmem>>
    %dma_start3A_19 = arith.constant 0 : i32
    %dma_start3A_20 = arith.constant 0 : i32
    %dma_start3A_21 = tpu.memref_slice %arg2[%dma_start3A_19, %dma_start3A_20] : memref<1024x128xf32, #tpu.memory_space<hbm>> -> memref<1024x128xf32, #tpu.memory_space<hbm>>
    tpu.enqueue_indirect_dma source(%dma_start3A_21 : memref<1024x128xf32, #tpu.memory_space<hbm>>) target(%dma_start3A_16 : memref<32x128xf32, #tpu.memory_space<vmem>>) offsets(%dma_start3A_18 : memref<32xi32, #tpu.memory_space<vmem>>) semaphore(%arg9 : memref<!tpu.dma_semaphore, #tpu.memory_space<semaphore_mem>>)
    %dma_wait3A = arith.constant 0 : i32
    %dma_wait3A_22 = tpu.memref_slice %arg4[%mul3A_2, %dma_wait3A] : memref<1024x64xf32, #tpu.memory_space<hbm>> -> memref<64x64xf32, #tpu.memory_space<hbm>>
    %dma_wait3A_23 = arith.constant 0 : i32
    %dma_wait3A_24 = tpu.memref_slice %arg4[%mul3A_2, %dma_wait3A_23] : memref<1024x64xf32, #tpu.memory_space<hbm>> -> memref<64x64xf32, #tpu.memory_space<hbm>>
    tpu.wait_dma2 semaphore(%arg10 : memref<!tpu.dma_semaphore, #tpu.memory_space<semaphore_mem>>) src(%dma_wait3A_24 : memref<64x64xf32, #tpu.memory_space<hbm>>) dst(%arg8 : memref<64x64xf32, #tpu.memory_space<vmem>>)
    %dma_wait3A_25 = arith.constant 0 : i32
    %dma_wait3A_26 = arith.constant 0 : i32
    %dma_wait3A_27 = tpu.memref_slice %arg7[%dma_wait3A_25, %dma_wait3A_26] : memref<64x128xf32, #tpu.memory_space<vmem>> -> memref<32x128xf32, #tpu.memory_space<vmem>>
    %dma_wait3A_28 = arith.constant 0 : i32
    %dma_wait3A_29 = tpu.memref_slice %arg6[%dma_wait3A_28] : memref<64xi32, #tpu.memory_space<vmem>> -> memref<32xi32, #tpu.memory_space<vmem>>
    %dma_wait3A_30 = arith.constant 0 : i32
    %dma_wait3A_31 = arith.constant 0 : i32
    %dma_wait3A_32 = tpu.memref_slice %arg2[%dma_wait3A_30, %dma_wait3A_31] : memref<1024x128xf32, #tpu.memory_space<hbm>> -> memref<1024x128xf32, #tpu.memory_space<hbm>>
    tpu.wait_indirect_dma semaphore(%arg9 : memref<!tpu.dma_semaphore, #tpu.memory_space<semaphore_mem>>) src(%dma_wait3A_32 : memref<1024x128xf32, #tpu.memory_space<hbm>>) dst(%dma_wait3A_27 : memref<32x128xf32, #tpu.memory_space<vmem>>)
    %dma_wait3A_33 = arith.constant 32 : i32
    %dma_wait3A_34 = arith.constant 0 : i32
    %dma_wait3A_35 = tpu.memref_slice %arg7[%dma_wait3A_33, %dma_wait3A_34] : memref<64x128xf32, #tpu.memory_space<vmem>> -> memref<32x128xf32, #tpu.memory_space<vmem>>
    %dma_wait3A_36 = arith.constant 32 : i32
    %dma_wait3A_37 = tpu.memref_slice %arg6[%dma_wait3A_36] : memref<64xi32, #tpu.memory_space<vmem>> -> memref<32xi32, #tpu.memory_space<vmem>>
    %dma_wait3A_38 = arith.constant 0 : i32
    %dma_wait3A_39 = arith.constant 0 : i32
    %dma_wait3A_40 = tpu.memref_slice %arg2[%dma_wait3A_38, %dma_wait3A_39] : memref<1024x128xf32, #tpu.memory_space<hbm>> -> memref<1024x128xf32, #tpu.memory_space<hbm>>
    tpu.wait_indirect_dma semaphore(%arg9 : memref<!tpu.dma_semaphore, #tpu.memory_space<semaphore_mem>>) src(%dma_wait3A_40 : memref<1024x128xf32, #tpu.memory_space<hbm>>) dst(%dma_wait3A_35 : memref<32x128xf32, #tpu.memory_space<vmem>>)
    %scan3A = arith.constant 0 : i32
    %scan3A_41 = arith.constant 0 : i32
    %scan3A_42 = arith.constant 64 : i32
    %scan3A_43 = arith.addi %scan3A_41, %scan3A_42 : i32
    %scan3A_44 = arith.constant 1 : i32
    scf.for %scan3A_46 = %scan3A_41 to %scan3A_43 step %scan3A_44  : i32 {
      %get3A = arith.index_cast %scan3A_46 : i32 to index
      %get3A_47 = arith.constant 0 : index
      %get3A_48 = tpu.vector_load %arg8[%get3A, %get3A_47] {strides = array<i32>} : memref<64x64xf32, #tpu.memory_space<vmem>>, vector<1x16xf32>,
      %get3A_49 = vector.shape_cast %get3A_48 : vector<1x16xf32> to vector<16xf32>
      %get3A_50 = arith.index_cast %scan3A_46 : i32 to index
      %get3A_51 = arith.constant 0 : index
      %get3A_52 = tpu.vector_load %arg7[%get3A_50, %get3A_51] {strides = array<i32>} : memref<64x128xf32, #tpu.memory_space<vmem>>, vector<1x16xf32>,
      %get3A_53 = vector.shape_cast %get3A_52 : vector<1x16xf32> to vector<16xf32>
      %add3A_54 = arith.addf %get3A_49, %get3A_53 : vector<16xf32>
      %swap3A = arith.index_cast %scan3A_46 : i32 to index
      %swap3A_55 = arith.constant 0 : index
      %swap3A_56 = tpu.vector_load %arg8[%swap3A, %swap3A_55] {strides = array<i32>} : memref<64x64xf32, #tpu.memory_space<vmem>>, vector<1x16xf32>,
      %swap3A_57 = vector.shape_cast %swap3A_56 : vector<1x16xf32> to vector<16xf32>
      %swap3A_58 = vector.shape_cast %add3A_54 : vector<16xf32> to vector<1x16xf32>
      tpu.vector_store %arg8[%swap3A, %swap3A_55], %swap3A_58 {strides = array<i32>} : memref<64x64xf32, #tpu.memory_space<vmem>>, vector<1x16xf32>,
      %get3A_59 = arith.index_cast %scan3A_46 : i32 to index
      %get3A_60 = arith.constant 16 : index
      %get3A_61 = tpu.vector_load %arg8[%get3A_59, %get3A_60] {strides = array<i32>} : memref<64x64xf32, #tpu.memory_space<vmem>>, vector<1x16xf32>,
      %get3A_62 = vector.shape_cast %get3A_61 : vector<1x16xf32> to vector<16xf32>
      %get3A_63 = arith.index_cast %scan3A_46 : i32 to index
      %get3A_64 = arith.constant 16 : index
      %get3A_65 = tpu.vector_load %arg7[%get3A_63, %get3A_64] {strides = array<i32>} : memref<64x128xf32, #tpu.memory_space<vmem>>, vector<1x16xf32>,
      %get3A_66 = vector.shape_cast %get3A_65 : vector<1x16xf32> to vector<16xf32>
      %add3A_67 = arith.addf %get3A_62, %get3A_66 : vector<16xf32>
      %swap3A_68 = arith.index_cast %scan3A_46 : i32 to index
      %swap3A_69 = arith.constant 16 : index
      %swap3A_70 = tpu.vector_load %arg8[%swap3A_68, %swap3A_69] {strides = array<i32>} : memref<64x64xf32, #tpu.memory_space<vmem>>, vector<1x16xf32>,
      %swap3A_71 = vector.shape_cast %swap3A_70 : vector<1x16xf32> to vector<16xf32>
      %swap3A_72 = vector.shape_cast %add3A_67 : vector<16xf32> to vector<1x16xf32>
      tpu.vector_store %arg8[%swap3A_68, %swap3A_69], %swap3A_72 {strides = array<i32>} : memref<64x64xf32, #tpu.memory_space<vmem>>, vector<1x16xf32>,
      %get3A_73 = arith.index_cast %scan3A_46 : i32 to index
      %get3A_74 = arith.constant 32 : index
      %get3A_75 = tpu.vector_load %arg8[%get3A_73, %get3A_74] {strides = array<i32>} : memref<64x64xf32, #tpu.memory_space<vmem>>, vector<1x16xf32>,
      %get3A_76 = vector.shape_cast %get3A_75 : vector<1x16xf32> to vector<16xf32>
      %get3A_77 = arith.index_cast %scan3A_46 : i32 to index
      %get3A_78 = arith.constant 32 : index
      %get3A_79 = tpu.vector_load %arg7[%get3A_77, %get3A_78] {strides = array<i32>} : memref<64x128xf32, #tpu.memory_space<vmem>>, vector<1x16xf32>,
      %get3A_80 = vector.shape_cast %get3A_79 : vector<1x16xf32> to vector<16xf32>
      %add3A_81 = arith.addf %get3A_76, %get3A_80 : vector<16xf32>
      %swap3A_82 = arith.index_cast %scan3A_46 : i32 to index
      %swap3A_83 = arith.constant 32 : index
      %swap3A_84 = tpu.vector_load %arg8[%swap3A_82, %swap3A_83] {strides = array<i32>} : memref<64x64xf32, #tpu.memory_space<vmem>>, vector<1x16xf32>,
      %swap3A_85 = vector.shape_cast %swap3A_84 : vector<1x16xf32> to vector<16xf32>
      %swap3A_86 = vector.shape_cast %add3A_81 : vector<16xf32> to vector<1x16xf32>
      tpu.vector_store %arg8[%swap3A_82, %swap3A_83], %swap3A_86 {strides = array<i32>} : memref<64x64xf32, #tpu.memory_space<vmem>>, vector<1x16xf32>,
      %get3A_87 = arith.index_cast %scan3A_46 : i32 to index
      %get3A_88 = arith.constant 48 : index
      %get3A_89 = tpu.vector_load %arg8[%get3A_87, %get3A_88] {strides = array<i32>} : memref<64x64xf32, #tpu.memory_space<vmem>>, vector<1x16xf32>,
      %get3A_90 = vector.shape_cast %get3A_89 : vector<1x16xf32> to vector<16xf32>
      %get3A_91 = arith.index_cast %scan3A_46 : i32 to index
      %get3A_92 = arith.constant 48 : index
      %get3A_93 = tpu.vector_load %arg7[%get3A_91, %get3A_92] {strides = array<i32>} : memref<64x128xf32, #tpu.memory_space<vmem>>, vector<1x16xf32>,
      %get3A_94 = vector.shape_cast %get3A_93 : vector<1x16xf32> to vector<16xf32>
      %add3A_95 = arith.addf %get3A_90, %get3A_94 : vector<16xf32>
      %swap3A_96 = arith.index_cast %scan3A_46 : i32 to index
      %swap3A_97 = arith.constant 48 : index
      %swap3A_98 = tpu.vector_load %arg8[%swap3A_96, %swap3A_97] {strides = array<i32>} : memref<64x64xf32, #tpu.memory_space<vmem>>, vector<1x16xf32>,
      %swap3A_99 = vector.shape_cast %swap3A_98 : vector<1x16xf32> to vector<16xf32>
      %swap3A_100 = vector.shape_cast %add3A_95 : vector<16xf32> to vector<1x16xf32>
      tpu.vector_store %arg8[%swap3A_96, %swap3A_97], %swap3A_100 {strides = array<i32>} : memref<64x64xf32, #tpu.memory_space<vmem>>, vector<1x16xf32>,
    }
    %scan3A_45 = arith.constant 64 : i32
    "tpu.region"() ({
      %run_scoped3A = tpu.sem_alloc : memref<!tpu.dma_semaphore, #tpu.memory_space<semaphore_mem>>
      %dma_start3A_46 = arith.constant 0 : i32
      %dma_start3A_47 = tpu.memref_slice %arg5[%mul3A_2, %dma_start3A_46] : memref<1024x64xf32, #tpu.memory_space<hbm>> -> memref<64x64xf32, #tpu.memory_space<hbm>>
      %dma_start3A_48 = arith.constant 0 : i32
      %dma_start3A_49 = tpu.memref_slice %arg5[%mul3A_2, %dma_start3A_48] : memref<1024x64xf32, #tpu.memory_space<hbm>> -> memref<64x64xf32, #tpu.memory_space<hbm>>
      tpu.enqueue_dma source(%arg8 : memref<64x64xf32, #tpu.memory_space<vmem>>) target(%dma_start3A_49 : memref<64x64xf32, #tpu.memory_space<hbm>>) target_semaphore(%run_scoped3A : memref<!tpu.dma_semaphore, #tpu.memory_space<semaphore_mem>>)
      %dma_wait3A_50 = arith.constant 0 : i32
      %dma_wait3A_51 = tpu.memref_slice %arg5[%mul3A_2, %dma_wait3A_50] : memref<1024x64xf32, #tpu.memory_space<hbm>> -> memref<64x64xf32, #tpu.memory_space<hbm>>
      %dma_wait3A_52 = arith.constant 0 : i32
      %dma_wait3A_53 = tpu.memref_slice %arg5[%mul3A_2, %dma_wait3A_52] : memref<1024x64xf32, #tpu.memory_space<hbm>> -> memref<64x64xf32, #tpu.memory_space<hbm>>
      tpu.wait_dma2 semaphore(%run_scoped3A : memref<!tpu.dma_semaphore, #tpu.memory_space<semaphore_mem>>) src(%arg8 : memref<64x64xf32, #tpu.memory_space<vmem>>) dst(%dma_wait3A_53 : memref<64x64xf32, #tpu.memory_space<hbm>>)
      tpu.yield
    }) : () -> ()
    return
  }
}

module attributes {stable_mosaic.version = 14 : i64} {
  func.func @_tc_score_kernel(%arg0: memref<4x256x196xf32, #tpu.memory_space<vmem>>, %arg1: memref<1024x64xf32, #tpu.memory_space<vmem>>, %arg2: memref<64x256xf32, #tpu.memory_space<vmem>>, %arg3: memref<1x64xf32, #tpu.memory_space<vmem>>, %arg4: memref<64x128xf32, #tpu.memory_space<vmem>>, %arg5: memref<1x64xf32, #tpu.memory_space<vmem>>, %arg6: memref<1x1024xi32, #tpu.memory_space<vmem>>, %arg7: memref<1024x64xf32, #tpu.memory_space<vmem>>, %arg8: memref<1024x128xf32, #tpu.memory_space<vmem>>) attributes {dimension_semantics = [], scalar_prefetch = 0 : i64, scratch_operands = 0 : i64, tpu.core_type = #tpu.core_type<tc>} {
    %get3A = arith.constant 0 : index
    %get3A_0 = arith.constant 0 : index
    %get3A_1 = vector.load %arg2[%get3A, %get3A_0] : memref<64x256xf32, #tpu.memory_space<vmem>>, vector<64x256xf32>
    %convert_element_type3A = arith.truncf %get3A_1 : vector<64x256xf32> to vector<64x256xbf16>
    %get3A_2 = arith.constant 0 : index
    %get3A_3 = arith.constant 0 : index
    %get3A_4 = arith.constant 0 : index
    %get3A_5 = vector.load %arg0[%get3A_2, %get3A_3, %get3A_4] : memref<4x256x196xf32, #tpu.memory_space<vmem>>, vector<1x256x196xf32>
    %get3A_6 = vector.shape_cast %get3A_5 : vector<1x256x196xf32> to vector<256x196xf32>
    %convert_element_type3A_7 = arith.truncf %get3A_6 : vector<256x196xf32> to vector<256x196xbf16>
    %dot_general3A = arith.constant dense<0.000000e+00> : vector<196x64xf32>
    %dot_general3A_8 = tpu.matmul %convert_element_type3A_7, %convert_element_type3A, %dot_general3A {dimension_numbers = #tpu.dot_dimension_numbers<[0], [1], [1], [0], [0, 1, 1, 0], [], []>, transpose_lhs_hint = false} : vector<256x196xbf16>, vector<64x256xbf16>, vector<196x64xf32> -> vector<196x64xf32>
    %get3A_9 = arith.constant 1 : index
    %get3A_10 = arith.constant 0 : index
    %get3A_11 = arith.constant 0 : index
    %get3A_12 = vector.load %arg0[%get3A_9, %get3A_10, %get3A_11] : memref<4x256x196xf32, #tpu.memory_space<vmem>>, vector<1x256x196xf32>
    %get3A_13 = vector.shape_cast %get3A_12 : vector<1x256x196xf32> to vector<256x196xf32>
    %convert_element_type3A_14 = arith.truncf %get3A_13 : vector<256x196xf32> to vector<256x196xbf16>
    %dot_general3A_15 = arith.constant dense<0.000000e+00> : vector<196x64xf32>
    %dot_general3A_16 = tpu.matmul %convert_element_type3A_14, %convert_element_type3A, %dot_general3A_15 {dimension_numbers = #tpu.dot_dimension_numbers<[0], [1], [1], [0], [0, 1, 1, 0], [], []>, transpose_lhs_hint = false} : vector<256x196xbf16>, vector<64x256xbf16>, vector<196x64xf32> -> vector<196x64xf32>
    %get3A_17 = arith.constant 2 : index
    %get3A_18 = arith.constant 0 : index
    %get3A_19 = arith.constant 0 : index
    %get3A_20 = vector.load %arg0[%get3A_17, %get3A_18, %get3A_19] : memref<4x256x196xf32, #tpu.memory_space<vmem>>, vector<1x256x196xf32>
    %get3A_21 = vector.shape_cast %get3A_20 : vector<1x256x196xf32> to vector<256x196xf32>
    %convert_element_type3A_22 = arith.truncf %get3A_21 : vector<256x196xf32> to vector<256x196xbf16>
    %dot_general3A_23 = arith.constant dense<0.000000e+00> : vector<196x64xf32>
    %dot_general3A_24 = tpu.matmul %convert_element_type3A_22, %convert_element_type3A, %dot_general3A_23 {dimension_numbers = #tpu.dot_dimension_numbers<[0], [1], [1], [0], [0, 1, 1, 0], [], []>, transpose_lhs_hint = false} : vector<256x196xbf16>, vector<64x256xbf16>, vector<196x64xf32> -> vector<196x64xf32>
    %get3A_25 = arith.constant 3 : index
    %get3A_26 = arith.constant 0 : index
    %get3A_27 = arith.constant 0 : index
    %get3A_28 = vector.load %arg0[%get3A_25, %get3A_26, %get3A_27] : memref<4x256x196xf32, #tpu.memory_space<vmem>>, vector<1x256x196xf32>
    %get3A_29 = vector.shape_cast %get3A_28 : vector<1x256x196xf32> to vector<256x196xf32>
    %convert_element_type3A_30 = arith.truncf %get3A_29 : vector<256x196xf32> to vector<256x196xbf16>
    %dot_general3A_31 = arith.constant dense<0.000000e+00> : vector<196x64xf32>
    %dot_general3A_32 = tpu.matmul %convert_element_type3A_30, %convert_element_type3A, %dot_general3A_31 {dimension_numbers = #tpu.dot_dimension_numbers<[0], [1], [1], [0], [0, 1, 1, 0], [], []>, transpose_lhs_hint = false} : vector<256x196xbf16>, vector<64x256xbf16>, vector<196x64xf32> -> vector<196x64xf32>
    %concatenate3A = tpu.concatenate %dot_general3A_8, %dot_general3A_16, %dot_general3A_24, %dot_general3A_32 in 0 : vector<196x64xf32>, vector<196x64xf32>, vector<196x64xf32>, vector<196x64xf32> -> vector<784x64xf32>
    %get3A_33 = arith.constant 0 : index
    %get3A_34 = arith.constant 0 : index
    %get3A_35 = vector.load %arg3[%get3A_33, %get3A_34] : memref<1x64xf32, #tpu.memory_space<vmem>>, vector<1x64xf32>
    %add3A = vector.broadcast %get3A_35 : vector<1x64xf32> to vector<784x64xf32>
    %add3A_36 = arith.addf %concatenate3A, %add3A : vector<784x64xf32>
    %max3A = arith.constant 0.000000e+00 : f32
    %max3A_37 = vector.broadcast %max3A : f32 to vector<784x64xf32>
    %max3A_38 = arith.maximumf %add3A_36, %max3A_37 : vector<784x64xf32>
    %reduce_max3A = arith.constant dense<0xFF800000> : vector<784xf32>
    %reduce_max3A_39 = vector.multi_reduction <maximumf>, %max3A_38, %reduce_max3A [1] : vector<784x64xf32> to vector<784xf32>
    %broadcast_in_dim3A = vector.shape_cast %reduce_max3A_39 : vector<784xf32> to vector<784x1xf32>
    %sub3A = vector.broadcast %broadcast_in_dim3A : vector<784x1xf32> to vector<784x64xf32>
    %sub3A_40 = arith.subf %max3A_38, %sub3A : vector<784x64xf32>
    %exp3A = math.exp %sub3A_40 : vector<784x64xf32>
    %reduce_sum3A = arith.constant dense<0.000000e+00> : vector<784xf32>
    %reduce_sum3A_41 = vector.multi_reduction <add>, %exp3A, %reduce_sum3A [1] : vector<784x64xf32> to vector<784xf32>
    %broadcast_in_dim3A_42 = vector.shape_cast %reduce_sum3A_41 : vector<784xf32> to vector<784x1xf32>
    %div3A = vector.broadcast %broadcast_in_dim3A_42 : vector<784x1xf32> to vector<784x64xf32>
    %div3A_43 = arith.divf %exp3A, %div3A : vector<784x64xf32>
    %log3A = math.log %div3A_43 : vector<784x64xf32>
    %get3A_44 = arith.constant 0 : index
    %get3A_45 = arith.constant 0 : index
    %get3A_46 = vector.load %arg1[%get3A_44, %get3A_45] : memref<1024x64xf32, #tpu.memory_space<vmem>>, vector<1024x64xf32>
    %reduce_max3A_47 = arith.constant dense<0xFF800000> : vector<1024xf32>
    %reduce_max3A_48 = vector.multi_reduction <maximumf>, %get3A_46, %reduce_max3A_47 [1] : vector<1024x64xf32> to vector<1024xf32>
    %broadcast_in_dim3A_49 = vector.shape_cast %reduce_max3A_48 : vector<1024xf32> to vector<1024x1xf32>
    %sub3A_50 = vector.broadcast %broadcast_in_dim3A_49 : vector<1024x1xf32> to vector<1024x64xf32>
    %sub3A_51 = arith.subf %get3A_46, %sub3A_50 : vector<1024x64xf32>
    %exp3A_52 = math.exp %sub3A_51 : vector<1024x64xf32>
    %reduce_sum3A_53 = arith.constant dense<0.000000e+00> : vector<1024xf32>
    %reduce_sum3A_54 = vector.multi_reduction <add>, %exp3A_52, %reduce_sum3A_53 [1] : vector<1024x64xf32> to vector<1024xf32>
    %broadcast_in_dim3A_55 = vector.shape_cast %reduce_sum3A_54 : vector<1024xf32> to vector<1024x1xf32>
    %div3A_56 = vector.broadcast %broadcast_in_dim3A_55 : vector<1024x1xf32> to vector<1024x64xf32>
    %div3A_57 = arith.divf %exp3A_52, %div3A_56 : vector<1024x64xf32>
    %log3A_58 = math.log %div3A_57 : vector<1024x64xf32>
    %mul3A = arith.mulf %div3A_57, %log3A_58 : vector<1024x64xf32>
    %reduce_sum3A_59 = arith.constant dense<0.000000e+00> : vector<1024xf32>
    %reduce_sum3A_60 = vector.multi_reduction <add>, %mul3A, %reduce_sum3A_59 [1] : vector<1024x64xf32> to vector<1024xf32>
    %broadcast_in_dim3A_61 = vector.shape_cast %reduce_sum3A_60 : vector<1024xf32> to vector<1024x1xf32>
    %convert_element_type3A_62 = arith.truncf %div3A_57 : vector<1024x64xf32> to vector<1024x64xbf16>
    %convert_element_type3A_63 = arith.truncf %log3A : vector<784x64xf32> to vector<784x64xbf16>
    %dot_general3A_64 = arith.constant dense<0.000000e+00> : vector<1024x784xf32>
    %dot_general3A_65 = tpu.matmul %convert_element_type3A_62, %convert_element_type3A_63, %dot_general3A_64 {dimension_numbers = #tpu.dot_dimension_numbers<[1], [1], [0], [0], [0, 0, 1, 0], [], []>, transpose_lhs_hint = false} : vector<1024x64xbf16>, vector<784x64xbf16>, vector<1024x784xf32> -> vector<1024x784xf32>
    %sub3A_66 = vector.broadcast %broadcast_in_dim3A_61 : vector<1024x1xf32> to vector<1024x784xf32>
    %sub3A_67 = arith.subf %sub3A_66, %dot_general3A_65 : vector<1024x784xf32>
    %reduce_min3A = arith.constant dense<0x7F800000> : vector<784xf32>
    %reduce_min3A_68 = vector.multi_reduction <minimumf>, %sub3A_67, %reduce_min3A [0] : vector<1024x784xf32> to vector<784xf32>
    %broadcast_in_dim3A_69 = vector.shape_cast %reduce_min3A_68 : vector<784xf32> to vector<1x784xf32>
    %iota3A = tpu.iota {dimensions = array<i32: 0>} : vector<1024x784xi32>
    %eq3A = vector.broadcast %broadcast_in_dim3A_69 : vector<1x784xf32> to vector<1024x784xf32>
    %eq3A_70 = arith.cmpf oeq, %sub3A_67, %eq3A : vector<1024x784xf32>
    %jit3A = arith.constant 1073741824 : i32
    %broadcast_in_dim3A_71 = vector.broadcast %jit3A : i32 to vector<1024x784xi32>
    %select_n3A = arith.select %eq3A_70, %iota3A, %broadcast_in_dim3A_71 : vector<1024x784xi1>, vector<1024x784xi32>
    %reduce_min3A_72 = arith.constant dense<2147483647> : vector<784xi32>
    %reduce_min3A_73 = vector.multi_reduction <minsi>, %select_n3A, %reduce_min3A_72 [0] : vector<1024x784xi32> to vector<784xi32>
    %broadcast_in_dim3A_74 = vector.shape_cast %reduce_min3A_73 : vector<784xi32> to vector<1x784xi32>
    %swap3A = arith.constant 0 : index
    %swap3A_75 = arith.constant 0 : index
    %swap3A_76 = vector.load %arg6[%swap3A, %swap3A_75] : memref<1x1024xi32, #tpu.memory_space<vmem>>, vector<1x784xi32>
    tpu.vector_store %arg6[%swap3A, %swap3A_75], %broadcast_in_dim3A_74 {strides = array<i32>} : memref<1x1024xi32, #tpu.memory_space<vmem>>, vector<1x784xi32>,
    %broadcast_in_dim3A_77 = arith.constant 0 : i32
    %broadcast_in_dim3A_78 = vector.broadcast %broadcast_in_dim3A_77 : i32 to vector<1x240xi32>
    %swap3A_79 = arith.constant 0 : index
    %swap3A_80 = arith.constant 784 : index
    %swap3A_81 = vector.load %arg6[%swap3A_79, %swap3A_80] : memref<1x1024xi32, #tpu.memory_space<vmem>>, vector<1x240xi32>
    tpu.vector_store %arg6[%swap3A_79, %swap3A_80], %broadcast_in_dim3A_78 {strides = array<i32>} : memref<1x1024xi32, #tpu.memory_space<vmem>>, vector<1x240xi32>,
    %get3A_82 = arith.constant 0 : index
    %get3A_83 = arith.constant 0 : index
    %get3A_84 = vector.load %arg4[%get3A_82, %get3A_83] : memref<64x128xf32, #tpu.memory_space<vmem>>, vector<64x64xf32>
    %get3A_85 = arith.constant 0 : index
    %get3A_86 = arith.constant 64 : index
    %get3A_87 = vector.load %arg4[%get3A_85, %get3A_86] : memref<64x128xf32, #tpu.memory_space<vmem>>, vector<64x64xf32>
    %convert_element_type3A_88 = arith.truncf %max3A_38 : vector<784x64xf32> to vector<784x64xbf16>
    %convert_element_type3A_89 = arith.truncf %get3A_84 : vector<64x64xf32> to vector<64x64xbf16>
    %dot_general3A_90 = arith.constant dense<0.000000e+00> : vector<784x64xf32>
    %dot_general3A_91 = tpu.matmul %convert_element_type3A_88, %convert_element_type3A_89, %dot_general3A_90 {dimension_numbers = #tpu.dot_dimension_numbers<[1], [1], [0], [0], [0, 0, 1, 0], [], []>, transpose_lhs_hint = false} : vector<784x64xbf16>, vector<64x64xbf16>, vector<784x64xf32> -> vector<784x64xf32>
    %get3A_92 = arith.constant 0 : index
    %get3A_93 = arith.constant 0 : index
    %get3A_94 = vector.load %arg5[%get3A_92, %get3A_93] : memref<1x64xf32, #tpu.memory_space<vmem>>, vector<1x64xf32>
    %add3A_95 = vector.broadcast %get3A_94 : vector<1x64xf32> to vector<784x64xf32>
    %add3A_96 = arith.addf %dot_general3A_91, %add3A_95 : vector<784x64xf32>
    %swap3A_97 = arith.constant 0 : index
    %swap3A_98 = arith.constant 0 : index
    %swap3A_99 = vector.load %arg7[%swap3A_97, %swap3A_98] : memref<1024x64xf32, #tpu.memory_space<vmem>>, vector<784x64xf32>
    tpu.vector_store %arg7[%swap3A_97, %swap3A_98], %add3A_96 {strides = array<i32>} : memref<1024x64xf32, #tpu.memory_space<vmem>>, vector<784x64xf32>,
    %convert_element_type3A_100 = arith.truncf %get3A_46 : vector<1024x64xf32> to vector<1024x64xbf16>
    %convert_element_type3A_101 = arith.truncf %get3A_87 : vector<64x64xf32> to vector<64x64xbf16>
    %dot_general3A_102 = arith.constant dense<0.000000e+00> : vector<1024x64xf32>
    %dot_general3A_103 = tpu.matmul %convert_element_type3A_100, %convert_element_type3A_101, %dot_general3A_102 {dimension_numbers = #tpu.dot_dimension_numbers<[1], [1], [0], [0], [0, 0, 1, 0], [], []>, transpose_lhs_hint = false} : vector<1024x64xbf16>, vector<64x64xbf16>, vector<1024x64xf32> -> vector<1024x64xf32>
    %broadcast_in_dim3A_104 = arith.constant 0.000000e+00 : f32
    %broadcast_in_dim3A_105 = vector.broadcast %broadcast_in_dim3A_104 : f32 to vector<1024x64xf32>
    %concatenate3A_106 = tpu.concatenate %dot_general3A_103, %broadcast_in_dim3A_105 in 1 : vector<1024x64xf32>, vector<1024x64xf32> -> vector<1024x128xf32>
    %swap3A_107 = arith.constant 0 : index
    %swap3A_108 = arith.constant 0 : index
    %swap3A_109 = vector.load %arg8[%swap3A_107, %swap3A_108] : memref<1024x128xf32, #tpu.memory_space<vmem>>, vector<1024x128xf32>
    tpu.vector_store %arg8[%swap3A_107, %swap3A_108], %concatenate3A_106 {strides = array<i32>} : memref<1024x128xf32, #tpu.memory_space<vmem>>, vector<1024x128xf32>,
    return
  }
}

</mosaic_0001>

<sc_bundles>
// kernel: kernel.4.cloned.1.call-start
scs
__scs_entry_jumppad:
0x0: {  	(pc) =	sbr.rel $0x88, $3  }
0x1: {  	(tag) =	ssettag $0x0;
	lr =	simm.s32 $0x1  }
0x2: {  	[smem:$0x3F9B] =	sst lr;
	_ =	strace $0xD0000000  }
0x3: {  	_ = 	snop  }
0x4: {  	_ = 	snop  }
0x5: {  	_ = 	snop  }
0x6: {  	_ = 	snop  }
0x7: {  	_ = 	snop  }
__scs_overlays_trampoline_lowered:
0x8: {  	[smem:$0x3FAA] =	sst s0  }
0x9: {  	[smem:$0x3FAB] =	sst s1  }
0xa: {  	[smem:$0x3FAC] =	sst s2  }
0xb: {  	[smem:$0x3FAD] =	sst s3  }
0xc: {  	[smem:$0x3FAE] =	sst s4  }
0xd: {  	[smem:$0x3FAF] =	sst s5  }
0xe: {  	[smem:$0x3FB0] =	sst s6  }
0xf: {  	[smem:$0x3FB1] =	sst s7  }
0x10: {  	[smem:$0x3FB2] =	sst s8  }
0x11: {  	[smem:$0x3FB3] =	sst s9;
	s0 =	simm.s32 @!p0 $0x0  }
0x12: {  	s1 =	sld [smem:$0x3F99];
	s0 =	simm.s32 @p0 $0x1  }
0x13: {  	[smem:$0x3FB4] =	sst s0;
	s0 =	simm.s32 @!p1 $0x0  }
0x14: {  	s2 =	sld [smem:$0x3F98];
	s0 =	simm.s32 @p1 $0x1  }
0x15: {  	[smem:$0x3FB5] =	sst s0;
	s0 =	simm.s32 @!p2 $0x0  }
0x16: {  	s3 =	sld [smem:$0x3FDB];
	s0 =	simm.s32 @p2 $0x1  }
0x17: {  	s4 =	simm.s32 $0x1BF5;
	[smem:$0x3FB7] =	sst s0  }
0x18: {  	s0 =	sld [smem:$0x3F9A];
	_ =	swait.ge [sflag:s4], $0x0  }
0x19: {  	s7 =	sld [smem:$0x3F9B]  }
0x1a: {  	s8 =	sadd.s32 $0xFFFFE003, lr  }
0x1b: {  	s9 =	sadd.s32 $0xFFFFFEF7, lr;
	s5 =	simm.s32 $0xFFFFFFFF;
	p2 =	slt.u32 s8, $0xFFFFF086  }
0x1c: {  	p1 =	slt.u32 s9, $0xF7A;
	s5 =	simm.s32 @!p2 $0x0  }
0x1d: {  	s5 =	simm.s32 @p1 $0x1;
	p0 =	seq.s32 s7, s2  }
0x1e: {  	s7 =	smul.u32 @!p0 $0xF7A, s2;
	p2 =	seq.s32 @!p0 s5, $0x0  }
0x1f: {  	s9 =	smul.u32 $0xF7A, s1;
	s8 =	simm.s32 @!p0 $0x1BF5;
	p2 =	por !p2, p0  }
0x20: {  	[sflag:s8] =	ssyncset.s32 @!p0 $0xFFFFF086;
	s6 =	sadd.s32 @!p0 s3, s7;
	s7 =	simm.s32 @!p0 $0x108  }
0x21: {  	s3 =	sadd.s32 s3, s9;
	s6 =	sadd.s32 @!p0 $0x88, s6;
	s7 =	simm.s32 @p2 $0x1082  }
0x22: {  	[simem:s7], [sflag:s8] =	dma.local @!p0 [hbm:s6], $0xF7A  }
0x23: {  	s9 =	sor.u32 $0xD0000000, s2;
	s6 =	simm.s32 $0x108;
	_ =	swait.ge @!p0 [sflag:s8], $0x0  }
0x24: {  	s3 =	sadd.s32 $0x88, s3;
	s6 =	simm.s32 @!p1 $0x1082;
	[sflag:s4] =	ssyncset.s32 $0xFFFFF086  }
0x25: {  	[simem:s6], [sflag:s4] =	dma.local [hbm:s3], $0xF7A  }
0x26: {  	[smem:$0x3F9B] =	sst s1;
	(tag) =	ssettag s2;
	_ =	strace s9  }
0x27: {  	s1 =	sld [smem:$0x3FAB]  }
0x28: {  	s2 =	sld [smem:$0x3FAC]  }
0x29: {  	s4 =	sld [smem:$0x3FAE]  }
0x2a: {  	p0 =	seq.s32 s5, $0x0;
	s5 =	sld [smem:$0x3FAF]  }
0x2b: {  	s6 =	sld [smem:$0x3FB0]  }
0x2c: {  	s7 =	sld [smem:$0x3FB1]  }
0x2d: {  	s3 =	simm.s32 $0x108;
	s8 =	sld [smem:$0x3FB2]  }
0x2e: {  	s3 =	simm.s32 @!p0 $0x1082;
	s9 =	sld [smem:$0x3FB3]  }
0x2f: {  	lr =	sadd.s32 s0, s3;
	s0 =	sld [smem:$0x3FAA]  }
0x30: {  	s3 =	sld [smem:$0x3FAD]  }
0x31: {  	[smem:$0x3FB6] =	sst s10  }
0x32: {  	s10 =	sld [smem:$0x3FB4];
	_ =	sdelay $0x3  }
0x33: {  	p0 =	seq.s32 s10, $0x1;
	s10 =	sld [smem:$0x3FB6];
	_ =	sdelay $0x3  }
0x34: {  	[smem:$0x3FB6] =	sst s10  }
0x35: {  	s10 =	sld [smem:$0x3FB5];
	_ =	sdelay $0x3  }
0x36: {  	p1 =	seq.s32 s10, $0x1;
	s10 =	sld [smem:$0x3FB6];
	_ =	sdelay $0x3  }
0x37: {  	[smem:$0x3FB6] =	sst s10  }
0x38: {  	s10 =	sld [smem:$0x3FB7]  }
0x39: {  	_ = 	snop;
	(pc) =	sbr.ind lr, $3  }
0x3a: {  	_ = 	snop  }
0x3b: {  	_ = 	snop  }
0x3c: {  	p2 =	seq.s32 s10, $0x1;
	s10 =	sld [smem:$0x3FB6]  }
0x3d: {  	_ =	shalt  }
0x3e: {  	_ =	shalt  }
0x3f: {  	_ =	shalt  }
0x40: {  	_ =	shalt  }
0x41: {  	_ =	shalt  }
0x42: {  	_ =	shalt  }
0x43: {  	_ =	shalt  }
0x44: {  	_ =	shalt  }
0x45: {  	_ =	shalt  }
0x46: {  	_ =	shalt  }
0x47: {  	_ =	shalt  }
0x48: {  	_ =	shalt  }
0x49: {  	_ =	shalt  }
0x4a: {  	_ =	shalt  }
0x4b: {  	_ =	shalt  }
0x4c: {  	_ =	shalt  }
0x4d: {  	_ =	shalt  }
0x4e: {  	_ =	shalt  }
0x4f: {  	_ =	shalt  }
0x50: {  	_ =	shalt  }
0x51: {  	_ =	shalt  }
0x52: {  	_ =	shalt  }
0x53: {  	_ =	shalt  }
0x54: {  	_ =	shalt  }
0x55: {  	_ =	shalt  }
0x56: {  	_ =	shalt  }
0x57: {  	_ =	shalt  }
0x58: {  	_ =	shalt  }
0x59: {  	_ =	shalt  }
0x5a: {  	_ =	shalt  }
0x5b: {  	_ =	shalt  }
0x5c: {  	_ =	shalt  }
0x5d: {  	_ =	shalt  }
0x5e: {  	_ =	shalt  }
0x5f: {  	_ =	shalt  }
0x60: {  	_ =	shalt  }
0x61: {  	_ =	shalt  }
0x62: {  	_ =	shalt  }
0x63: {  	_ =	shalt  }
0x64: {  	_ =	shalt  }
0x65: {  	_ =	shalt  }
0x66: {  	_ =	shalt  }
0x67: {  	_ =	shalt  }
0x68: {  	_ =	shalt  }
0x69: {  	_ =	shalt  }
0x6a: {  	_ =	shalt  }
0x6b: {  	_ =	shalt  }
0x6c: {  	_ =	shalt  }
0x6d: {  	_ =	shalt  }
0x6e: {  	_ =	shalt  }
0x6f: {  	_ =	shalt  }
0x70: {  	_ =	shalt  }
0x71: {  	_ =	shalt  }
0x72: {  	_ =	shalt  }
0x73: {  	_ =	shalt  }
0x74: {  	_ =	shalt  }
0x75: {  	_ =	shalt  }
0x76: {  	_ =	shalt  }
0x77: {  	_ =	shalt  }
0x78: {  	_ =	shalt  }
0x79: {  	_ =	shalt  }
0x7a: {  	_ =	shalt  }
0x7b: {  	_ =	shalt  }
0x7c: {  	_ =	shalt  }
0x7d: {  	_ =	shalt  }
0x7e: {  	_ =	shalt  }
0x7f: {  	_ =	shalt  }
0x80: {  	_ =	shalt  }
0x81: {  	_ =	shalt  }
0x82: {  	_ =	shalt  }
0x83: {  	_ =	shalt  }
0x84: {  	_ =	shalt  }
0x85: {  	_ =	shalt  }
0x86: {  	_ =	shalt  }
0x87: {  	_ =	shalt  }
.Lfunc_end0:
.L_simem_size_0:
called_computation_lowered:
.L_overlay_start_0:
0x88: {  	s0 =	sld [smem:$0x3FD9]  }
0x89: {  	s1 =	sld [smem:$0x3FFE];
	_ =	sdelay $0x3  }
0x8a: {  	s0 =	sadd.s32 s1, s0  }
0x8b: {  	[smem:$0x3FC2] =	sst s0  }
0x8c: {  	_ = 	snop  }
0x8d: {  	s0 =	sld [smem:$0x3FD0];
	(tm) =	ssettm $0x1  }
0x8e: {  	s16 =	sld [smem:$0x3FFB];
	_ =	sdelay $0x3  }
0x8f: {  	_ =	strace s16  }
0x90: {  	s1 =	sld [smem:$0x3FFC];
	_ =	sdelay $0x3  }
0x91: {  	_ =	strace s1  }
0x92: {  	s1 =	sld [smem:$0x3FFD];
	_ =	sdelay $0x3  }
0x93: {  	_ =	strace s1  }
0x94: {  	_ =	strace $0x8FFFFFFF  }
0x95: {  	s17 =	sld [smem:$0x3FDB];
	_ =	sdelay $0x1  }
0x96: {  	s2 =	simm.s32 $_scs_section_size  }
0x97: {  	s3 =	simm.s32 $_size__tile_overlayer_lowered;
	s4 =	simm.s32 $_tile_overlayer_lowered  }
0x98: {  	s20 =	simm.s32 $0x1BFF;
	s19 =	sshll.u32 s4, $0x1;
	s1 =	sadd.s32 s2, s17  }
0x99: {  	s5 =	simm.s32 $0x0;
	s18 =	sshll.u32 s3, $0x1;
	s3 =	sadd.s32 s19, s1  }
0x9a: {  	[timem:s5], [sflag:s20] =	dma.local [hbm:s3], s18  }
0x9b: {  	_ =	swait.ge [sflag:s20], s18  }
0x9c: {  	s2 =	ssub.s32 $0x0, s18;
	[sflag:s20] =	ssyncset.done $0x0  }
0x9d: {  	[sflag:s20] =	ssyncadd.s32 s2;
	_ =	sdelay $0x1  }
0x9e: {  	s21 =	simm.s32 $0x1B8B  }
0x9f: {  	_ =	swait.ge [sflag:s21], $0x1  }
0xa0: {  	[sflag:s21] =	ssyncset.done $0x0  }
0xa1: {  	s23 =	simm.s32 $0x1B8E;
	s22 =	sld [smem:$0x3FFE];
	[sflag:s21] =	ssyncadd.s32 $0xFFFFFFFF  }
0xa2: {  	s24 =	simm.s32 $execute0_lowered;
	[smem:$0x3FD2] =	sst s23  }
0xa3: {  	s3 =	sshll.u32 s24, $0x1;
	_ =	strace $0x80000046;
	[dreg:$0x1] =	wrdreg $0xFFFFFFFF  }
0xa4: {  	s25 =	simm.s32 $_size_execute0_lowered;
	s1 =	sadd.s32 s1, s3;
	[dreg:$0x0] =	wrdreg $0x0  }
0xa5: {  	s3 =	sshll.u32 s25, $0x1;
	[dreg:$0x2] =	wrdreg s1  }
0xa6: {  	[dreg:$0x3] =	wrdreg s3  }
0xa7: {  	[dreg:$0x4] =	wrdreg $0xC0  }
0xa8: {  	_ =	task [dreg:s5], $0x5FFFF  }
0xa9: {  	[dreg:$0x1] =	wrdreg $0xFFFFFFFF  }
0xaa: {  	[dreg:$0x0] =	wrdreg $0x60  }
0xab: {  	[dreg:$0x2] =	wrdreg s22  }
0xac: {  	[dreg:$0x3] =	wrdreg s0  }
0xad: {  	[dreg:$0x4] =	wrdreg $0x9  }
0xae: {  	_ =	task.clear_ibuf [dreg:s5], $0x5FFFF;
	_ =	strace $0x90000046  }
0xaf: {  	s26 =	simm.s32 $0x9;
	_ =	strace $0x80000048  }
0xb0: {  	_ =	swait.ge [sflag:s26], $0x1  }
0xb1: {  	[sflag:s26] =	ssyncadd.s32 $0xFFFFFFFF  }
0xb2: {  	_ =	strace $0x90000048  }
0xb3: {  	_ =	sfence  }
0xb4: {  	s28 =	sld [smem:$0x0];
	_ =	sdelay $0x1  }
0xb5: {  	s29 =	srdreg.scid  }
0xb6: {  	s30 =	sshll.u32 s29, $0xD;
	s31 =	sshrl.u32 s29, $0x2  }
0xb7: {  	s2 =	sand.u32 $0x4000, s30;
	s1 =	sand.u32 $0x1, s29;
	s0 =	sadd.s32 s31, s28  }
0xb8: {  	s1 =	sor.u32 s2, s1;
	s0 =	sshll.u32 s0, $0x11  }
0xb9: {  	s0 =	sor.u32 s0, s1  }
0xba: {  	s0 =	sadd.s32 $0x8F2B, s0  }
0xbb: {  	[sflag:s0] =	ssyncadd.remote.s32 $0x1  }
0xbc: {  	_ =	sfence.sel $0xFFFF  }
0xbd: {  	[dreg:$0x0] =	wrdreg $0xFFFFFFFF;
	(pc) =	sbr.abs _section_cstart, $3  }
0xbe: {  	[dreg:$0x1] =	wrdreg $0xFFFFFFFF  }
0xbf: {  	_ =	task.clear_ibuf [dreg:s5], $0x2FFFF;
	_ =	strace $0x9FFFFFFF  }
0xc0: {  	(tm) =	ssettm $0x7FFFFFFF  }
0xc1: {  	_ =	shalt  }
tec
execute0_lowered:
.L_overlay_start_1:
0x0: {  	(tag) =	ssettag $0x1  }
0x1: {  	s4 =	rddreg [dreg:$0x0]  }
0x2: {  	s3 =	rddreg [dreg:$0x1];
	s1 =	stileid.u32  }
0x3: {  	s0 =	rddreg [dreg:$0x2];
	s5 =	simm.s32 $0x0;
	s2 =	sshll.u32 s1, $0xA  }
0x4: {  	s8 =	simm.s32 $0x2080;
	[smem:$0x7FF] =	sst s5;
	s6 =	sadd.s32 s2, s4  }
0x5: {  	s7 =	sshll.u32 s1, $0x3;
	_ =	strace $0x80000047;
	s6 =	sadd.s32 $0x5800, s6  }
0x6: {  	[tilespmem:s8], [sflag:$0x2] =	stream.linear.gather [hbm4b:s6+s5], $0x2000, $0x38;
	[tilespmem:$0x4080] =	vst v63  }
0x7: {  	s24 =	simm.s32 $0x3;
	s3 =	sadd.s32 s3, s7  }
0x8: {  	[tilespmem:s5], [sflag:$0x3] =	stream.linear.gather [hbm4b:s3+s5], $0x40, $0x38;
	[tilespmem:$0x4080] =	vst v63  }
0x9: {  	_ =	swait.ge [sflag:s24], $0x40  }
0xa: {  	s26 =	simm.s32 $0x20;
	[sflag:s24] =	ssyncset.done $0x0  }
0xb: {  	s28 =	simm.s32 $0x80;
	s25 =	sadd.s32 $0x1800, s4;
	[sflag:s24] =	ssyncadd.s32 $0xFFFFFFC0  }
0xc: {  	[tilespmem:s28], [sflag:$0x1] =	stream.indirect.gather [hbm4b:s25+s26], $0x80, s5, s26, $0xb8;
	[tilespmem:$0x4080] =	vst v63  }
0xd: {  	s29 =	simm.s32 $0x1080;
	s30 =	simm.s32 $0x2  }
0xe: {  	[tilespmem:s29], [sflag:$0x1] =	stream.indirect.gather [hbm4b:s25+s26], $0x80, s26, s26, $0xb8;
	[tilespmem:$0x4080] =	vst v63  }
0xf: {  	_ =	swait.ge [sflag:s30], $0x2000  }
0x10: {  	[sflag:s30] =	ssyncset.done $0x0  }
0x11: {  	s31 =	simm.s32 $0x1;
	[sflag:s30] =	ssyncadd.s32 $0xFFFFE000  }
0x12: {  	_ =	swait.ge [sflag:s31], $0x1000  }
0x13: {  	[sflag:s31] =	ssyncset.done $0x0  }
0x14: {  	[sflag:s31] =	ssyncadd.s32 $0xFFFFF000  }
0x15: {  	_ =	swait.ge [sflag:s31], $0x1000  }
0x16: {  	[sflag:s31] =	ssyncset.done $0x0  }
0x17: {  	s3 =	simm.s32 $0x0;
	[sflag:s31] =	ssyncadd.s32 $0xFFFFF000  }
0x18: {  	v5 =	vld [tilespmem:s3+$0x80]  }
0x19: {  	v6 =	vld [tilespmem:s3+$0x90]  }
0x1a: {  	v1 =	vld [tilespmem:s3+$0xA0]  }
0x1b: {  	v0 =	vld [tilespmem:s3+$0xB0]  }
0x1c: {  	v2 =	vld [tilespmem:s3+$0x2080]  }
0x1d: {  	v3 =	vld [tilespmem:s3+$0x2090]  }
0x1e: {  	s4 =	sadd.s32 $0x9800, s4;
	s5 =	simm.s32 $0x200;
	v4 =	vld [tilespmem:s3+$0x20A0]  }
.LBB2_1:
0x1f: {  	s6 =	sshra.s32 s5, $0x2;
	p0 =	sne.s32 s5, $0x7E00;
	v7 =	vld [tilespmem:s3+$0x20B0];
	v8 =	vmov v1  }
0x20: {  	v9 =	vld [tilespmem:s6+$0x80];
	v10 =	vmov v0  }
0x21: {  	v11 =	vld [tilespmem:s6+$0x90];
	v2 =	vadd.f32 v5, v2  }
.Ltmp0:
0x22: {  	v1 =	vld [tilespmem:s6+$0xA0];
	v3 =	vadd.f32 v6, v3;
	(pc) =	sbr.rel @p0 .LBB2_1-.Ltmp0, $4  }
0x23: {  	v0 =	vld [tilespmem:s6+$0xB0];
	[tilespmem:s3+$0x2080] =	vst v2;
	v4 =	vadd.f32 v8, v4  }
0x24: {  	v2 =	vld [tilespmem:s6+$0x2080];
	[tilespmem:s3+$0x2090] =	vst v3;
	v7 =	vadd.f32 v10, v7  }
0x25: {  	v3 =	vld [tilespmem:s6+$0x2090];
	[tilespmem:s3+$0x20A0] =	vst v4;
	v5 =	vmov v9  }
0x26: {  	s5 =	sadd.s32 $0x200, s5;
	v4 =	vld [tilespmem:s6+$0x20A0];
	[tilespmem:s3+$0x20B0] =	vst v7;
	v6 =	vmov v11;
	s3 =	smov.u32 s6  }
0x27: {  	v7 =	vld [tilespmem:s3+$0x20B0];
	_ =	sdelay $0x1  }
0x28: {  	v2 =	vadd.f32 v5, v2  }
0x29: {  	v3 =	vadd.f32 v6, v3  }
0x2a: {  	[tilespmem:s3+$0x2080] =	vst v2;
	v1 =	vadd.f32 v1, v4  }
0x2b: {  	[tilespmem:s3+$0x2090] =	vst v3;
	v0 =	vadd.f32 v0, v7  }
0x2c: {  	s2 =	sadd.s32 s4, s2;
	[tilespmem:s3+$0x20A0] =	vst v1  }
0x2d: {  	s29 =	simm.s32 $0x0;
	s30 =	simm.s32 $0x2080;
	s31 =	simm.s32 $0x3;
	[tilespmem:s3+$0x20B0] =	vst v0  }
0x2e: {  	[hbm4b:s2+s29] =	stream.linear.scatter [tilespmem:s30], [sflag:$0x3], $0x2000, $0x38;
	[tilespmem:$0x4080] =	vst v63  }
0x2f: {  	_ =	swait.ge [sflag:s31], $0x2000  }
0x30: {  	[sflag:s31] =	ssyncset.done $0x0  }
0x31: {  	[sflag:s31] =	ssyncadd.s32 $0xFFFFE000  }
0x32: {  	_ =	sfence.sel $0x180000  }
0x33: {  	[bflag:$0x0] =	sbarrier.arrive $0xFFFF  }
0x34: {  	p0 =	sne.s32 s1, $0x0;
	_ =	strace $0x90000047  }
0x35: {  	s0 =	sadd.s32 @!p0 $0x100000, s0;
	[bflag:$0x2] =	sbarrier.arrive $0xFFFF  }
0x36: {  	[sflag:s0] =	ssyncadd.tile.s32 @!p0 $0x1;
	_ =	shalt  }
.Lfunc_end2:
_tile_overlayer_lowered:
.L_overlay_start_2:
0x37: {  	(tag) =	ssettag $0x2  }
0x38: {  	s0 =	rddreg [dreg:$0x0];
	s2 =	stileid.u32  }
0x39: {  	s1 =	rddreg [dreg:$0x1];
	p0 =	sne.s32 s2, $0x0  }
0x3a: {  	s3 =	rddreg [dreg:$0x2];
	[bflag:$0x3] =	sbarrier.arrive $0xFFFF;
	s2 =	simm.s32 @!p0 $0x1C03  }
0x3b: {  	[timem:s3], [sflag:s2] =	dma.local @!p0 [hbm:s0], s1  }
0x3c: {  	s0 =	simm.s32 @!p0 $0x3  }
0x3d: {  	_ =	swait.ge @!p0 [sflag:s0], s1  }
0x3e: {  	s1 =	ssub.s32 @!p0 $0x0, s1;
	[sflag:s0] =	ssyncset.done @!p0 $0x0  }
0x3f: {  	[sflag:s0] =	ssyncadd.s32 @!p0 s1  }
0x40: {  	[bflag:$0x3] =	sbarrier.arrive $0xFFFF  }
0x41: {  	_ =	shalt  }

</sc_bundles>
